<compile_context>
chip_gen: v7x
topology: tpu7x:2x2x1
jax: 0.10.2.dev20260603
libtpu: 0.0.44.dev20260713+nightly
codegen_flags: <defaults>
</compile_context>

<pallas_src>
import functools

import numpy as np
import jax
import jax.numpy as jnp
from jax import lax
from jax.experimental import pallas as pl
from jax.experimental.pallas import tpu as pltpu
from jax.experimental.pallas import tpu_sc as plsc

_N_DOW, _N_MONTH, _N_LEAP, _N_DEC = 7, 12, 2, 16
_ED, _DIM, _B = 16, 64, 16384
_C = _N_DOW * _N_MONTH * _N_LEAP * _N_DEC


def _build_onehots():
    c = np.arange(_C)
    d = c // (_N_MONTH * _N_LEAP * _N_DEC)
    m = (c // (_N_LEAP * _N_DEC)) % _N_MONTH
    lp = (c // _N_DEC) % _N_LEAP
    dec = c % _N_DEC

    a = np.zeros((_C, _DIM), np.float32)
    r = np.arange(_C)
    a[r, d] = 1.0
    a[r, 7 + m] = 1.0
    a[r, 19 + lp] = 1.0
    a[r, 21 + dec] = 1.0
    return a


_G4 = _build_onehots()


def _table_body(g4, ed, em, el, edec, w1, b1, w2, b2, o_ref):
    f32 = jnp.float32
    a = jnp.concatenate([
        jnp.dot(ed[...], w1[0:16, :], preferred_element_type=f32),
        jnp.dot(em[...], w1[16:32, :], preferred_element_type=f32),
        jnp.dot(el[...], w1[32:48, :], preferred_element_type=f32),
        jnp.dot(edec[...], w1[48:64, :], preferred_element_type=f32),
        jnp.zeros((27, _DIM), f32),
    ], axis=0)
    h = jnp.dot(g4[...], a, preferred_element_type=f32) + b1[...]
    h = 0.5 * h * (1.0 + lax.erf(h * np.float32(0.7071067811865476)))
    o = jnp.dot(h, w2[...], preferred_element_type=f32) + b2[...]
    o_ref[:, 0:_DIM] = o


def _compute_table(dow_emb, month_emb, leap_emb, decade_emb, W1, b1, W2, b2):
    return pl.pallas_call(
        _table_body,
        out_shape=jax.ShapeDtypeStruct((_C, 2 * _DIM), jnp.float32),
    )(jnp.asarray(_G4), dow_emb, month_emb, leap_emb, decade_emb,
      W1, b1.reshape(1, _DIM), W2, b2.reshape(1, _DIM))


@functools.lru_cache(maxsize=1)
def _make_gather():
    NC, NS, L = 2, 16, 16
    NW = NC * NS
    BPW = _B // NW
    NCHUNK = BPW // 128
    mesh = plsc.VectorSubcoreMesh(core_axis_name="c", subcore_axis_name="s")

    @functools.partial(
        pl.kernel, mesh=mesh,
        out_type=jax.ShapeDtypeStruct((_B, 2 * _DIM), jnp.float32),
        scratch_types=[
            pltpu.VMEM((4, BPW), jnp.int32),
            pltpu.VMEM((BPW,), jnp.int32),
            pltpu.VMEM((BPW, 2 * _DIM), jnp.float32),
            pltpu.SemaphoreType.DMA,
            pltpu.SemaphoreType.DMA,
            pltpu.SemaphoreType.DMA,
            pltpu.SemaphoreType.DMA,
            pltpu.SemaphoreType.DMA,
            pltpu.SemaphoreType.DMA,
        ],
    )
    def gather(table_hbm, dow_hbm, month_hbm, leap_hbm, dec_hbm, out_hbm,
               in_v, idx_v, rows_v, sem, g0, g1, g2, g3, sem_w):
        sem_g = (g0, g1, g2, g3)
        wid = lax.axis_index("s") * NC + lax.axis_index("c")
        base = wid * BPW
        loads = [
            pltpu.async_copy(src.at[pl.ds(base, BPW)], in_v.at[k], sem)
            for k, src in enumerate((dow_hbm, month_hbm, leap_hbm, dec_hbm))
        ]
        for cp in loads:
            cp.wait()

        def _combine(i, _):
            s = pl.ds(i * L, L)
            idx_v[s] = ((in_v[0, s] * 12 + in_v[1, s]) * 2
                        + in_v[2, s]) * 16 + in_v[3, s]
            return ()

        lax.fori_loop(0, BPW // L, _combine, ())
        gathers = [
            pltpu.async_copy(table_hbm.at[idx_v.at[pl.ds(j * 128, 128)]],
                             rows_v.at[pl.ds(j * 128, 128)], sem_g[j])
            for j in range(NCHUNK)
        ]
        writes = []
        for j in range(NCHUNK):
            gathers[j].wait()
            writes.append(
                pltpu.async_copy(rows_v.at[pl.ds(j * 128, 128)],
                                 out_hbm.at[pl.ds(base + j * 128, 128)], sem_w))
        for cp in writes:
            cp.wait()

    return gather


def kernel(dow, month, leap, decade, dow_emb, month_emb, leap_emb, decade_emb,
           W1, b1, W2, b2):
    table = _compute_table(dow_emb, month_emb, leap_emb, decade_emb, W1, b1, W2, b2)
    wide = _make_gather()(table, dow.astype(jnp.int32), month.astype(jnp.int32),
                          leap.astype(jnp.int32), decade.astype(jnp.int32))
    return wide[:, :_DIM]

# --- scband reference (transcript-rebuilt; emitter-appended) ---
"""Pipeline reference for scband-condition-encoder-85117661872305 (READ-ONLY COPY).

The authoritative reference and input builder live on the scoring server;
editing this copy changes nothing except your own understanding.
"""

import jax, jax.numpy as jnp
import numpy as np

N_DOW, N_MONTH, N_LEAP, N_DECADES = 7, 12, 2, 16
EMBED_DIM, DIM, B = 16, 64, 16384

def setup_inputs(seed: int = 0) -> dict:
    key = jax.random.key(seed)
    ks = jax.random.split(key, 12)
    dow = jax.random.randint(ks[0], (B,), 0, N_DOW, dtype=jnp.int64 if jax.config.jax_enable_x64 else jnp.int32)
    month = jax.random.randint(ks[1], (B,), 0, N_MONTH)
    leap = jax.random.randint(ks[2], (B,), 0, N_LEAP)
    decade = jax.random.randint(ks[3], (B,), 0, N_DECADES)
    dow_emb = jax.random.normal(ks[4], (N_DOW, EMBED_DIM), dtype=jnp.float32)
    month_emb = jax.random.normal(ks[5], (N_MONTH, EMBED_DIM), dtype=jnp.float32)
    leap_emb = jax.random.normal(ks[6], (N_LEAP, EMBED_DIM), dtype=jnp.float32)
    decade_emb = jax.random.normal(ks[7], (N_DECADES, EMBED_DIM), dtype=jnp.float32)
    W1 = jax.random.normal(ks[8], (4 * EMBED_DIM, DIM), dtype=jnp.float32) * 0.1
    b1 = jnp.zeros((DIM,), dtype=jnp.float32)
    W2 = jax.random.normal(ks[9], (DIM, DIM), dtype=jnp.float32) * 0.1
    b2 = jnp.zeros((DIM,), dtype=jnp.float32)
    return {"dow": dow, "month": month, "leap": leap, "decade": decade,
            "dow_emb": dow_emb, "month_emb": month_emb, "leap_emb": leap_emb, "decade_emb": decade_emb,
            "W1": W1, "b1": b1, "W2": W2, "b2": b2}

def reference(dow, month, leap, decade, dow_emb, month_emb, leap_emb, decade_emb, W1, b1, W2, b2):
    e = jnp.concatenate([
        jnp.take(dow_emb, dow, axis=0),
        jnp.take(month_emb, month, axis=0),
        jnp.take(leap_emb, leap, axis=0),
        jnp.take(decade_emb, decade, axis=0),
    ], axis=-1)
    h = e @ W1 + b1
    h = jax.nn.gelu(h, approximate=False)
    out = h @ W2 + b2
    return out

if __name__ == "__main__":
    import jax
    _d = setup_inputs()
    print(jax.jit(kernel)(*tuple(_d.values())))

</pallas_src>

<mosaic_0001>
#map = affine_map<(d0, d1) -> (0, 0)>
#map1 = affine_map<(d0, d1) -> (0)>
module attributes {stable_mosaic.version = 14 : i64} {
  func.func @gather(%arg0: i32, %arg1: i32, %arg2: memref<2688x128xf32, #tpu.memory_space<hbm>>, %arg3: memref<16384xi32, #tpu.memory_space<hbm>>, %arg4: memref<16384xi32, #tpu.memory_space<hbm>>, %arg5: memref<16384xi32, #tpu.memory_space<hbm>>, %arg6: memref<16384xi32, #tpu.memory_space<hbm>>, %arg7: memref<16384x128xf32, #tpu.memory_space<hbm>>, %arg8: memref<4x512xi32, #tpu.memory_space<vmem>>, %arg9: memref<512xi32, #tpu.memory_space<vmem>>, %arg10: memref<512x128xf32, #tpu.memory_space<vmem>>, %arg11: memref<!tpu.dma_semaphore, #tpu.memory_space<semaphore_mem>>, %arg12: memref<!tpu.dma_semaphore, #tpu.memory_space<semaphore_mem>>, %arg13: memref<!tpu.dma_semaphore, #tpu.memory_space<semaphore_mem>>, %arg14: memref<!tpu.dma_semaphore, #tpu.memory_space<semaphore_mem>>, %arg15: memref<!tpu.dma_semaphore, #tpu.memory_space<semaphore_mem>>, %arg16: memref<!tpu.dma_semaphore, #tpu.memory_space<semaphore_mem>>) attributes {dimension_semantics = [#tpu.dimension_semantics<core_parallel>, #tpu.dimension_semantics<subcore_parallel>], iteration_bounds = array<i64: 2, 16>, scalar_prefetch = 0 : i64, scratch_operands = 9 : i64, tpu.core_type = #tpu.core_type<sc_vector_subcore>, window_params = [{transform_indices = #map}, {transform_indices = #map1}, {transform_indices = #map1}, {transform_indices = #map1}, {transform_indices = #map1}, {transform_indices = #map}]} {
    %mul3A = arith.constant 2 : i32
    %mul3A_0 = arith.muli %arg1, %mul3A : i32
    %add3A = arith.addi %mul3A_0, %arg0 : i32
    %mul3A_1 = arith.constant 512 : i32
    %mul3A_2 = arith.muli %add3A, %mul3A_1 : i32
    %dma_start3A = arith.constant 0 : i32
    %dma_start3A_3 = arith.constant 0 : i32
    %dma_start3A_4 = tpu.memref_slice %arg8[%dma_start3A, %dma_start3A_3] : memref<4x512xi32, #tpu.memory_space<vmem>> -> memref<1x512xi32, #tpu.memory_space<vmem>>
    %dma_start3A_5 = tpu.memref_squeeze %dma_start3A_4 : memref<1x512xi32, #tpu.memory_space<vmem>> -> memref<512xi32, #tpu.memory_space<vmem>>
    %dma_start3A_6 = tpu.memref_slice %arg3[%mul3A_2] : memref<16384xi32, #tpu.memory_space<hbm>> -> memref<512xi32, #tpu.memory_space<hbm>>
    %dma_start3A_7 = arith.constant 0 : i32
    %dma_start3A_8 = tpu.memref_slice %arg8[%dma_start3A, %dma_start3A_7] : memref<4x512xi32, #tpu.memory_space<vmem>> -> memref<1x512xi32, #tpu.memory_space<vmem>>
    %dma_start3A_9 = tpu.memref_squeeze %dma_start3A_8 : memref<1x512xi32, #tpu.memory_space<vmem>> -> memref<512xi32, #tpu.memory_space<vmem>>
    %dma_start3A_10 = tpu.memref_slice %arg3[%mul3A_2] : memref<16384xi32, #tpu.memory_space<hbm>> -> memref<512xi32, #tpu.memory_space<hbm>>
    tpu.enqueue_dma source(%dma_start3A_10 : memref<512xi32, #tpu.memory_space<hbm>>) target(%dma_start3A_9 : memref<512xi32, #tpu.memory_space<vmem>>) target_semaphore(%arg11 : memref<!tpu.dma_semaphore, #tpu.memory_space<semaphore_mem>>)
    %dma_start3A_11 = arith.constant 1 : i32
    %dma_start3A_12 = arith.constant 0 : i32
    %dma_start3A_13 = tpu.memref_slice %arg8[%dma_start3A_11, %dma_start3A_12] : memref<4x512xi32, #tpu.memory_space<vmem>> -> memref<1x512xi32, #tpu.memory_space<vmem>>
    %dma_start3A_14 = tpu.memref_squeeze %dma_start3A_13 : memref<1x512xi32, #tpu.memory_space<vmem>> -> memref<512xi32, #tpu.memory_space<vmem>>
    %dma_start3A_15 = tpu.memref_slice %arg4[%mul3A_2] : memref<16384xi32, #tpu.memory_space<hbm>> -> memref<512xi32, #tpu.memory_space<hbm>>
    %dma_start3A_16 = arith.constant 0 : i32
    %dma_start3A_17 = tpu.memref_slice %arg8[%dma_start3A_11, %dma_start3A_16] : memref<4x512xi32, #tpu.memory_space<vmem>> -> memref<1x512xi32, #tpu.memory_space<vmem>>
    %dma_start3A_18 = tpu.memref_squeeze %dma_start3A_17 : memref<1x512xi32, #tpu.memory_space<vmem>> -> memref<512xi32, #tpu.memory_space<vmem>>
    %dma_start3A_19 = tpu.memref_slice %arg4[%mul3A_2] : memref<16384xi32, #tpu.memory_space<hbm>> -> memref<512xi32, #tpu.memory_space<hbm>>
    tpu.enqueue_dma source(%dma_start3A_19 : memref<512xi32, #tpu.memory_space<hbm>>) target(%dma_start3A_18 : memref<512xi32, #tpu.memory_space<vmem>>) target_semaphore(%arg11 : memref<!tpu.dma_semaphore, #tpu.memory_space<semaphore_mem>>)
    %dma_start3A_20 = arith.constant 2 : i32
    %dma_start3A_21 = arith.constant 0 : i32
    %dma_start3A_22 = tpu.memref_slice %arg8[%dma_start3A_20, %dma_start3A_21] : memref<4x512xi32, #tpu.memory_space<vmem>> -> memref<1x512xi32, #tpu.memory_space<vmem>>
    %dma_start3A_23 = tpu.memref_squeeze %dma_start3A_22 : memref<1x512xi32, #tpu.memory_space<vmem>> -> memref<512xi32, #tpu.memory_space<vmem>>
    %dma_start3A_24 = tpu.memref_slice %arg5[%mul3A_2] : memref<16384xi32, #tpu.memory_space<hbm>> -> memref<512xi32, #tpu.memory_space<hbm>>
    %dma_start3A_25 = arith.constant 0 : i32
    %dma_start3A_26 = tpu.memref_slice %arg8[%dma_start3A_20, %dma_start3A_25] : memref<4x512xi32, #tpu.memory_space<vmem>> -> memref<1x512xi32, #tpu.memory_space<vmem>>
    %dma_start3A_27 = tpu.memref_squeeze %dma_start3A_26 : memref<1x512xi32, #tpu.memory_space<vmem>> -> memref<512xi32, #tpu.memory_space<vmem>>
    %dma_start3A_28 = tpu.memref_slice %arg5[%mul3A_2] : memref<16384xi32, #tpu.memory_space<hbm>> -> memref<512xi32, #tpu.memory_space<hbm>>
    tpu.enqueue_dma source(%dma_start3A_28 : memref<512xi32, #tpu.memory_space<hbm>>) target(%dma_start3A_27 : memref<512xi32, #tpu.memory_space<vmem>>) target_semaphore(%arg11 : memref<!tpu.dma_semaphore, #tpu.memory_space<semaphore_mem>>)
    %dma_start3A_29 = arith.constant 3 : i32
    %dma_start3A_30 = arith.constant 0 : i32
    %dma_start3A_31 = tpu.memref_slice %arg8[%dma_start3A_29, %dma_start3A_30] : memref<4x512xi32, #tpu.memory_space<vmem>> -> memref<1x512xi32, #tpu.memory_space<vmem>>
    %dma_start3A_32 = tpu.memref_squeeze %dma_start3A_31 : memref<1x512xi32, #tpu.memory_space<vmem>> -> memref<512xi32, #tpu.memory_space<vmem>>
    %dma_start3A_33 = tpu.memref_slice %arg6[%mul3A_2] : memref<16384xi32, #tpu.memory_space<hbm>> -> memref<512xi32, #tpu.memory_space<hbm>>
    %dma_start3A_34 = arith.constant 0 : i32
    %dma_start3A_35 = tpu.memref_slice %arg8[%dma_start3A_29, %dma_start3A_34] : memref<4x512xi32, #tpu.memory_space<vmem>> -> memref<1x512xi32, #tpu.memory_space<vmem>>
    %dma_start3A_36 = tpu.memref_squeeze %dma_start3A_35 : memref<1x512xi32, #tpu.memory_space<vmem>> -> memref<512xi32, #tpu.memory_space<vmem>>
    %dma_start3A_37 = tpu.memref_slice %arg6[%mul3A_2] : memref<16384xi32, #tpu.memory_space<hbm>> -> memref<512xi32, #tpu.memory_space<hbm>>
    tpu.enqueue_dma source(%dma_start3A_37 : memref<512xi32, #tpu.memory_space<hbm>>) target(%dma_start3A_36 : memref<512xi32, #tpu.memory_space<vmem>>) target_semaphore(%arg11 : memref<!tpu.dma_semaphore, #tpu.memory_space<semaphore_mem>>)
    %dma_wait3A = arith.constant 0 : i32
    %dma_wait3A_38 = arith.constant 0 : i32
    %dma_wait3A_39 = tpu.memref_slice %arg8[%dma_wait3A, %dma_wait3A_38] : memref<4x512xi32, #tpu.memory_space<vmem>> -> memref<1x512xi32, #tpu.memory_space<vmem>>
    %dma_wait3A_40 = tpu.memref_squeeze %dma_wait3A_39 : memref<1x512xi32, #tpu.memory_space<vmem>> -> memref<512xi32, #tpu.memory_space<vmem>>
    %dma_wait3A_41 = tpu.memref_slice %arg3[%mul3A_2] : memref<16384xi32, #tpu.memory_space<hbm>> -> memref<512xi32, #tpu.memory_space<hbm>>
    %dma_wait3A_42 = arith.constant 0 : i32
    %dma_wait3A_43 = tpu.memref_slice %arg8[%dma_wait3A, %dma_wait3A_42] : memref<4x512xi32, #tpu.memory_space<vmem>> -> memref<1x512xi32, #tpu.memory_space<vmem>>
    %dma_wait3A_44 = tpu.memref_squeeze %dma_wait3A_43 : memref<1x512xi32, #tpu.memory_space<vmem>> -> memref<512xi32, #tpu.memory_space<vmem>>
    %dma_wait3A_45 = tpu.memref_slice %arg3[%mul3A_2] : memref<16384xi32, #tpu.memory_space<hbm>> -> memref<512xi32, #tpu.memory_space<hbm>>
    tpu.wait_dma2 semaphore(%arg11 : memref<!tpu.dma_semaphore, #tpu.memory_space<semaphore_mem>>) src(%dma_wait3A_45 : memref<512xi32, #tpu.memory_space<hbm>>) dst(%dma_wait3A_44 : memref<512xi32, #tpu.memory_space<vmem>>)
    %dma_wait3A_46 = arith.constant 1 : i32
    %dma_wait3A_47 = arith.constant 0 : i32
    %dma_wait3A_48 = tpu.memref_slice %arg8[%dma_wait3A_46, %dma_wait3A_47] : memref<4x512xi32, #tpu.memory_space<vmem>> -> memref<1x512xi32, #tpu.memory_space<vmem>>
    %dma_wait3A_49 = tpu.memref_squeeze %dma_wait3A_48 : memref<1x512xi32, #tpu.memory_space<vmem>> -> memref<512xi32, #tpu.memory_space<vmem>>
    %dma_wait3A_50 = tpu.memref_slice %arg4[%mul3A_2] : memref<16384xi32, #tpu.memory_space<hbm>> -> memref<512xi32, #tpu.memory_space<hbm>>
    %dma_wait3A_51 = arith.constant 0 : i32
    %dma_wait3A_52 = tpu.memref_slice %arg8[%dma_wait3A_46, %dma_wait3A_51] : memref<4x512xi32, #tpu.memory_space<vmem>> -> memref<1x512xi32, #tpu.memory_space<vmem>>
    %dma_wait3A_53 = tpu.memref_squeeze %dma_wait3A_52 : memref<1x512xi32, #tpu.memory_space<vmem>> -> memref<512xi32, #tpu.memory_space<vmem>>
    %dma_wait3A_54 = tpu.memref_slice %arg4[%mul3A_2] : memref<16384xi32, #tpu.memory_space<hbm>> -> memref<512xi32, #tpu.memory_space<hbm>>
    tpu.wait_dma2 semaphore(%arg11 : memref<!tpu.dma_semaphore, #tpu.memory_space<semaphore_mem>>) src(%dma_wait3A_54 : memref<512xi32, #tpu.memory_space<hbm>>) dst(%dma_wait3A_53 : memref<512xi32, #tpu.memory_space<vmem>>)
    %dma_wait3A_55 = arith.constant 2 : i32
    %dma_wait3A_56 = arith.constant 0 : i32
    %dma_wait3A_57 = tpu.memref_slice %arg8[%dma_wait3A_55, %dma_wait3A_56] : memref<4x512xi32, #tpu.memory_space<vmem>> -> memref<1x512xi32, #tpu.memory_space<vmem>>
    %dma_wait3A_58 = tpu.memref_squeeze %dma_wait3A_57 : memref<1x512xi32, #tpu.memory_space<vmem>> -> memref<512xi32, #tpu.memory_space<vmem>>
    %dma_wait3A_59 = tpu.memref_slice %arg5[%mul3A_2] : memref<16384xi32, #tpu.memory_space<hbm>> -> memref<512xi32, #tpu.memory_space<hbm>>
    %dma_wait3A_60 = arith.constant 0 : i32
    %dma_wait3A_61 = tpu.memref_slice %arg8[%dma_wait3A_55, %dma_wait3A_60] : memref<4x512xi32, #tpu.memory_space<vmem>> -> memref<1x512xi32, #tpu.memory_space<vmem>>
    %dma_wait3A_62 = tpu.memref_squeeze %dma_wait3A_61 : memref<1x512xi32, #tpu.memory_space<vmem>> -> memref<512xi32, #tpu.memory_space<vmem>>
    %dma_wait3A_63 = tpu.memref_slice %arg5[%mul3A_2] : memref<16384xi32, #tpu.memory_space<hbm>> -> memref<512xi32, #tpu.memory_space<hbm>>
    tpu.wait_dma2 semaphore(%arg11 : memref<!tpu.dma_semaphore, #tpu.memory_space<semaphore_mem>>) src(%dma_wait3A_63 : memref<512xi32, #tpu.memory_space<hbm>>) dst(%dma_wait3A_62 : memref<512xi32, #tpu.memory_space<vmem>>)
    %dma_wait3A_64 = arith.constant 3 : i32
    %dma_wait3A_65 = arith.constant 0 : i32
    %dma_wait3A_66 = tpu.memref_slice %arg8[%dma_wait3A_64, %dma_wait3A_65] : memref<4x512xi32, #tpu.memory_space<vmem>> -> memref<1x512xi32, #tpu.memory_space<vmem>>
    %dma_wait3A_67 = tpu.memref_squeeze %dma_wait3A_66 : memref<1x512xi32, #tpu.memory_space<vmem>> -> memref<512xi32, #tpu.memory_space<vmem>>
    %dma_wait3A_68 = tpu.memref_slice %arg6[%mul3A_2] : memref<16384xi32, #tpu.memory_space<hbm>> -> memref<512xi32, #tpu.memory_space<hbm>>
    %dma_wait3A_69 = arith.constant 0 : i32
    %dma_wait3A_70 = tpu.memref_slice %arg8[%dma_wait3A_64, %dma_wait3A_69] : memref<4x512xi32, #tpu.memory_space<vmem>> -> memref<1x512xi32, #tpu.memory_space<vmem>>
    %dma_wait3A_71 = tpu.memref_squeeze %dma_wait3A_70 : memref<1x512xi32, #tpu.memory_space<vmem>> -> memref<512xi32, #tpu.memory_space<vmem>>
    %dma_wait3A_72 = tpu.memref_slice %arg6[%mul3A_2] : memref<16384xi32, #tpu.memory_space<hbm>> -> memref<512xi32, #tpu.memory_space<hbm>>
    tpu.wait_dma2 semaphore(%arg11 : memref<!tpu.dma_semaphore, #tpu.memory_space<semaphore_mem>>) src(%dma_wait3A_72 : memref<512xi32, #tpu.memory_space<hbm>>) dst(%dma_wait3A_71 : memref<512xi32, #tpu.memory_space<vmem>>)
    %scan3A = arith.constant 0 : i32
    %scan3A_73 = arith.constant 32 : i32
    %scan3A_74 = arith.addi %scan3A, %scan3A_73 : i32
    %scan3A_75 = arith.constant 1 : i32
    scf.for %scan3A_229 = %scan3A to %scan3A_74 step %scan3A_75  : i32 {
      %mul3A_230 = arith.constant 16 : i32
      %mul3A_231 = arith.muli %scan3A_229, %mul3A_230 : i32
      %get3A = arith.constant 0 : i32
      %get3A_232 = arith.index_cast %get3A : i32 to index
      %get3A_233 = arith.index_cast %mul3A_231 : i32 to index
      %get3A_234 = tpu.vector_load %arg8[%get3A_232, %get3A_233] {strides = array<i32>} : memref<4x512xi32, #tpu.memory_space<vmem>>, vector<1x16xi32>,
      %get3A_235 = vector.shape_cast %get3A_234 : vector<1x16xi32> to vector<16xi32>
      %mul3A_236 = arith.constant 12 : i32
      %mul3A_237 = vector.broadcast %mul3A_236 : i32 to vector<16xi32>
      %mul3A_238 = arith.muli %get3A_235, %mul3A_237 : vector<16xi32>
      %get3A_239 = arith.constant 1 : i32
      %get3A_240 = arith.index_cast %get3A_239 : i32 to index
      %get3A_241 = arith.index_cast %mul3A_231 : i32 to index
      %get3A_242 = tpu.vector_load %arg8[%get3A_240, %get3A_241] {strides = array<i32>} : memref<4x512xi32, #tpu.memory_space<vmem>>, vector<1x16xi32>,
      %get3A_243 = vector.shape_cast %get3A_242 : vector<1x16xi32> to vector<16xi32>
      %add3A_244 = arith.addi %mul3A_238, %get3A_243 : vector<16xi32>
      %mul3A_245 = arith.constant 2 : i32
      %mul3A_246 = vector.broadcast %mul3A_245 : i32 to vector<16xi32>
      %mul3A_247 = arith.muli %add3A_244, %mul3A_246 : vector<16xi32>
      %get3A_248 = arith.constant 2 : i32
      %get3A_249 = arith.index_cast %get3A_248 : i32 to index
      %get3A_250 = arith.index_cast %mul3A_231 : i32 to index
      %get3A_251 = tpu.vector_load %arg8[%get3A_249, %get3A_250] {strides = array<i32>} : memref<4x512xi32, #tpu.memory_space<vmem>>, vector<1x16xi32>,
      %get3A_252 = vector.shape_cast %get3A_251 : vector<1x16xi32> to vector<16xi32>
      %add3A_253 = arith.addi %mul3A_247, %get3A_252 : vector<16xi32>
      %mul3A_254 = arith.constant 16 : i32
      %mul3A_255 = vector.broadcast %mul3A_254 : i32 to vector<16xi32>
      %mul3A_256 = arith.muli %add3A_253, %mul3A_255 : vector<16xi32>
      %get3A_257 = arith.constant 3 : i32
      %get3A_258 = arith.index_cast %get3A_257 : i32 to index
      %get3A_259 = arith.index_cast %mul3A_231 : i32 to index
      %get3A_260 = tpu.vector_load %arg8[%get3A_258, %get3A_259] {strides = array<i32>} : memref<4x512xi32, #tpu.memory_space<vmem>>, vector<1x16xi32>,
      %get3A_261 = vector.shape_cast %get3A_260 : vector<1x16xi32> to vector<16xi32>
      %add3A_262 = arith.addi %mul3A_256, %get3A_261 : vector<16xi32>
      %swap3A = arith.index_cast %mul3A_231 : i32 to index
      %swap3A_263 = tpu.vector_load %arg9[%swap3A] {strides = array<i32>} : memref<512xi32, #tpu.memory_space<vmem>>, vector<16xi32>,
      %swap3A_264 = vector.shape_cast %swap3A_263 : vector<16xi32> to vector<16xi32>
      %swap3A_265 = vector.shape_cast %add3A_262 : vector<16xi32> to vector<16xi32>
      tpu.vector_store %arg9[%swap3A], %swap3A_265 {strides = array<i32>} : memref<512xi32, #tpu.memory_space<vmem>>, vector<16xi32>,
    }
    %scan3A_76 = arith.constant 32 : i32
    %dma_start3A_77 = arith.constant 0 : i32
    %dma_start3A_78 = arith.constant 0 : i32
    %dma_start3A_79 = tpu.memref_slice %arg10[%dma_start3A_77, %dma_start3A_78] : memref<512x128xf32, #tpu.memory_space<vmem>> -> memref<128x128xf32, #tpu.memory_space<vmem>>
    %dma_start3A_80 = arith.constant 0 : i32
    %dma_start3A_81 = tpu.memref_slice %arg9[%dma_start3A_80] : memref<512xi32, #tpu.memory_space<vmem>> -> memref<128xi32, #tpu.memory_space<vmem>>
    %dma_start3A_82 = arith.constant 0 : i32
    %dma_start3A_83 = arith.constant 0 : i32
    %dma_start3A_84 = tpu.memref_slice %arg2[%dma_start3A_82, %dma_start3A_83] : memref<2688x128xf32, #tpu.memory_space<hbm>> -> memref<2688x128xf32, #tpu.memory_space<hbm>>
    tpu.enqueue_indirect_dma source(%dma_start3A_84 : memref<2688x128xf32, #tpu.memory_space<hbm>>) target(%dma_start3A_79 : memref<128x128xf32, #tpu.memory_space<vmem>>) offsets(%dma_start3A_81 : memref<128xi32, #tpu.memory_space<vmem>>) semaphore(%arg12 : memref<!tpu.dma_semaphore, #tpu.memory_space<semaphore_mem>>)
    %dma_start3A_85 = arith.constant 128 : i32
    %dma_start3A_86 = arith.constant 0 : i32
    %dma_start3A_87 = tpu.memref_slice %arg10[%dma_start3A_85, %dma_start3A_86] : memref<512x128xf32, #tpu.memory_space<vmem>> -> memref<128x128xf32, #tpu.memory_space<vmem>>
    %dma_start3A_88 = arith.constant 128 : i32
    %dma_start3A_89 = tpu.memref_slice %arg9[%dma_start3A_88] : memref<512xi32, #tpu.memory_space<vmem>> -> memref<128xi32, #tpu.memory_space<vmem>>
    %dma_start3A_90 = arith.constant 0 : i32
    %dma_start3A_91 = arith.constant 0 : i32
    %dma_start3A_92 = tpu.memref_slice %arg2[%dma_start3A_90, %dma_start3A_91] : memref<2688x128xf32, #tpu.memory_space<hbm>> -> memref<2688x128xf32, #tpu.memory_space<hbm>>
    tpu.enqueue_indirect_dma source(%dma_start3A_92 : memref<2688x128xf32, #tpu.memory_space<hbm>>) target(%dma_start3A_87 : memref<128x128xf32, #tpu.memory_space<vmem>>) offsets(%dma_start3A_89 : memref<128xi32, #tpu.memory_space<vmem>>) semaphore(%arg13 : memref<!tpu.dma_semaphore, #tpu.memory_space<semaphore_mem>>)
    %dma_start3A_93 = arith.constant 256 : i32
    %dma_start3A_94 = arith.constant 0 : i32
    %dma_start3A_95 = tpu.memref_slice %arg10[%dma_start3A_93, %dma_start3A_94] : memref<512x128xf32, #tpu.memory_space<vmem>> -> memref<128x128xf32, #tpu.memory_space<vmem>>
    %dma_start3A_96 = arith.constant 256 : i32
    %dma_start3A_97 = tpu.memref_slice %arg9[%dma_start3A_96] : memref<512xi32, #tpu.memory_space<vmem>> -> memref<128xi32, #tpu.memory_space<vmem>>
    %dma_start3A_98 = arith.constant 0 : i32
    %dma_start3A_99 = arith.constant 0 : i32
    %dma_start3A_100 = tpu.memref_slice %arg2[%dma_start3A_98, %dma_start3A_99] : memref<2688x128xf32, #tpu.memory_space<hbm>> -> memref<2688x128xf32, #tpu.memory_space<hbm>>
    tpu.enqueue_indirect_dma source(%dma_start3A_100 : memref<2688x128xf32, #tpu.memory_space<hbm>>) target(%dma_start3A_95 : memref<128x128xf32, #tpu.memory_space<vmem>>) offsets(%dma_start3A_97 : memref<128xi32, #tpu.memory_space<vmem>>) semaphore(%arg14 : memref<!tpu.dma_semaphore, #tpu.memory_space<semaphore_mem>>)
    %dma_start3A_101 = arith.constant 384 : i32
    %dma_start3A_102 = arith.constant 0 : i32
    %dma_start3A_103 = tpu.memref_slice %arg10[%dma_start3A_101, %dma_start3A_102] : memref<512x128xf32, #tpu.memory_space<vmem>> -> memref<128x128xf32, #tpu.memory_space<vmem>>
    %dma_start3A_104 = arith.constant 384 : i32
    %dma_start3A_105 = tpu.memref_slice %arg9[%dma_start3A_104] : memref<512xi32, #tpu.memory_space<vmem>> -> memref<128xi32, #tpu.memory_space<vmem>>
    %dma_start3A_106 = arith.constant 0 : i32
    %dma_start3A_107 = arith.constant 0 : i32
    %dma_start3A_108 = tpu.memref_slice %arg2[%dma_start3A_106, %dma_start3A_107] : memref<2688x128xf32, #tpu.memory_space<hbm>> -> memref<2688x128xf32, #tpu.memory_space<hbm>>
    tpu.enqueue_indirect_dma source(%dma_start3A_108 : memref<2688x128xf32, #tpu.memory_space<hbm>>) target(%dma_start3A_103 : memref<128x128xf32, #tpu.memory_space<vmem>>) offsets(%dma_start3A_105 : memref<128xi32, #tpu.memory_space<vmem>>) semaphore(%arg15 : memref<!tpu.dma_semaphore, #tpu.memory_space<semaphore_mem>>)
    %dma_wait3A_109 = arith.constant 0 : i32
    %dma_wait3A_110 = arith.constant 0 : i32
    %dma_wait3A_111 = tpu.memref_slice %arg10[%dma_wait3A_109, %dma_wait3A_110] : memref<512x128xf32, #tpu.memory_space<vmem>> -> memref<128x128xf32, #tpu.memory_space<vmem>>
    %dma_wait3A_112 = arith.constant 0 : i32
    %dma_wait3A_113 = tpu.memref_slice %arg9[%dma_wait3A_112] : memref<512xi32, #tpu.memory_space<vmem>> -> memref<128xi32, #tpu.memory_space<vmem>>
    %dma_wait3A_114 = arith.constant 0 : i32
    %dma_wait3A_115 = arith.constant 0 : i32
    %dma_wait3A_116 = tpu.memref_slice %arg2[%dma_wait3A_114, %dma_wait3A_115] : memref<2688x128xf32, #tpu.memory_space<hbm>> -> memref<2688x128xf32, #tpu.memory_space<hbm>>
    tpu.wait_indirect_dma semaphore(%arg12 : memref<!tpu.dma_semaphore, #tpu.memory_space<semaphore_mem>>) src(%dma_wait3A_116 : memref<2688x128xf32, #tpu.memory_space<hbm>>) dst(%dma_wait3A_111 : memref<128x128xf32, #tpu.memory_space<vmem>>)
    %add3A_117 = arith.constant 0 : i32
    %add3A_118 = arith.addi %mul3A_2, %add3A_117 : i32
    %dma_start3A_119 = arith.constant 0 : i32
    %dma_start3A_120 = arith.constant 0 : i32
    %dma_start3A_121 = tpu.memref_slice %arg10[%dma_start3A_119, %dma_start3A_120] : memref<512x128xf32, #tpu.memory_space<vmem>> -> memref<128x128xf32, #tpu.memory_space<vmem>>
    %dma_start3A_122 = arith.constant 0 : i32
    %dma_start3A_123 = tpu.memref_slice %arg7[%add3A_118, %dma_start3A_122] : memref<16384x128xf32, #tpu.memory_space<hbm>> -> memref<128x128xf32, #tpu.memory_space<hbm>>
    %dma_start3A_124 = arith.constant 0 : i32
    %dma_start3A_125 = tpu.memref_slice %arg7[%add3A_118, %dma_start3A_124] : memref<16384x128xf32, #tpu.memory_space<hbm>> -> memref<128x128xf32, #tpu.memory_space<hbm>>
    %dma_start3A_126 = arith.constant 0 : i32
    %dma_start3A_127 = arith.constant 0 : i32
    %dma_start3A_128 = tpu.memref_slice %arg10[%dma_start3A_126, %dma_start3A_127] : memref<512x128xf32, #tpu.memory_space<vmem>> -> memref<128x128xf32, #tpu.memory_space<vmem>>
    tpu.enqueue_dma source(%dma_start3A_128 : memref<128x128xf32, #tpu.memory_space<vmem>>) target(%dma_start3A_125 : memref<128x128xf32, #tpu.memory_space<hbm>>) target_semaphore(%arg16 : memref<!tpu.dma_semaphore, #tpu.memory_space<semaphore_mem>>)
    %dma_wait3A_129 = arith.constant 128 : i32
    %dma_wait3A_130 = arith.constant 0 : i32
    %dma_wait3A_131 = tpu.memref_slice %arg10[%dma_wait3A_129, %dma_wait3A_130] : memref<512x128xf32, #tpu.memory_space<vmem>> -> memref<128x128xf32, #tpu.memory_space<vmem>>
    %dma_wait3A_132 = arith.constant 128 : i32
    %dma_wait3A_133 = tpu.memref_slice %arg9[%dma_wait3A_132] : memref<512xi32, #tpu.memory_space<vmem>> -> memref<128xi32, #tpu.memory_space<vmem>>
    %dma_wait3A_134 = arith.constant 0 : i32
    %dma_wait3A_135 = arith.constant 0 : i32
    %dma_wait3A_136 = tpu.memref_slice %arg2[%dma_wait3A_134, %dma_wait3A_135] : memref<2688x128xf32, #tpu.memory_space<hbm>> -> memref<2688x128xf32, #tpu.memory_space<hbm>>
    tpu.wait_indirect_dma semaphore(%arg13 : memref<!tpu.dma_semaphore, #tpu.memory_space<semaphore_mem>>) src(%dma_wait3A_136 : memref<2688x128xf32, #tpu.memory_space<hbm>>) dst(%dma_wait3A_131 : memref<128x128xf32, #tpu.memory_space<vmem>>)
    %add3A_137 = arith.constant 128 : i32
    %add3A_138 = arith.addi %mul3A_2, %add3A_137 : i32
    %dma_start3A_139 = arith.constant 128 : i32
    %dma_start3A_140 = arith.constant 0 : i32
    %dma_start3A_141 = tpu.memref_slice %arg10[%dma_start3A_139, %dma_start3A_140] : memref<512x128xf32, #tpu.memory_space<vmem>> -> memref<128x128xf32, #tpu.memory_space<vmem>>
    %dma_start3A_142 = arith.constant 0 : i32
    %dma_start3A_143 = tpu.memref_slice %arg7[%add3A_138, %dma_start3A_142] : memref<16384x128xf32, #tpu.memory_space<hbm>> -> memref<128x128xf32, #tpu.memory_space<hbm>>
    %dma_start3A_144 = arith.constant 0 : i32
    %dma_start3A_145 = tpu.memref_slice %arg7[%add3A_138, %dma_start3A_144] : memref<16384x128xf32, #tpu.memory_space<hbm>> -> memref<128x128xf32, #tpu.memory_space<hbm>>
    %dma_start3A_146 = arith.constant 128 : i32
    %dma_start3A_147 = arith.constant 0 : i32
    %dma_start3A_148 = tpu.memref_slice %arg10[%dma_start3A_146, %dma_start3A_147] : memref<512x128xf32, #tpu.memory_space<vmem>> -> memref<128x128xf32, #tpu.memory_space<vmem>>
    tpu.enqueue_dma source(%dma_start3A_148 : memref<128x128xf32, #tpu.memory_space<vmem>>) target(%dma_start3A_145 : memref<128x128xf32, #tpu.memory_space<hbm>>) target_semaphore(%arg16 : memref<!tpu.dma_semaphore, #tpu.memory_space<semaphore_mem>>)
    %dma_wait3A_149 = arith.constant 256 : i32
    %dma_wait3A_150 = arith.constant 0 : i32
    %dma_wait3A_151 = tpu.memref_slice %arg10[%dma_wait3A_149, %dma_wait3A_150] : memref<512x128xf32, #tpu.memory_space<vmem>> -> memref<128x128xf32, #tpu.memory_space<vmem>>
    %dma_wait3A_152 = arith.constant 256 : i32
    %dma_wait3A_153 = tpu.memref_slice %arg9[%dma_wait3A_152] : memref<512xi32, #tpu.memory_space<vmem>> -> memref<128xi32, #tpu.memory_space<vmem>>
    %dma_wait3A_154 = arith.constant 0 : i32
    %dma_wait3A_155 = arith.constant 0 : i32
    %dma_wait3A_156 = tpu.memref_slice %arg2[%dma_wait3A_154, %dma_wait3A_155] : memref<2688x128xf32, #tpu.memory_space<hbm>> -> memref<2688x128xf32, #tpu.memory_space<hbm>>
    tpu.wait_indirect_dma semaphore(%arg14 : memref<!tpu.dma_semaphore, #tpu.memory_space<semaphore_mem>>) src(%dma_wait3A_156 : memref<2688x128xf32, #tpu.memory_space<hbm>>) dst(%dma_wait3A_151 : memref<128x128xf32, #tpu.memory_space<vmem>>)
    %add3A_157 = arith.constant 256 : i32
    %add3A_158 = arith.addi %mul3A_2, %add3A_157 : i32
    %dma_start3A_159 = arith.constant 256 : i32
    %dma_start3A_160 = arith.constant 0 : i32
    %dma_start3A_161 = tpu.memref_slice %arg10[%dma_start3A_159, %dma_start3A_160] : memref<512x128xf32, #tpu.memory_space<vmem>> -> memref<128x128xf32, #tpu.memory_space<vmem>>
    %dma_start3A_162 = arith.constant 0 : i32
    %dma_start3A_163 = tpu.memref_slice %arg7[%add3A_158, %dma_start3A_162] : memref<16384x128xf32, #tpu.memory_space<hbm>> -> memref<128x128xf32, #tpu.memory_space<hbm>>
    %dma_start3A_164 = arith.constant 0 : i32
    %dma_start3A_165 = tpu.memref_slice %arg7[%add3A_158, %dma_start3A_164] : memref<16384x128xf32, #tpu.memory_space<hbm>> -> memref<128x128xf32, #tpu.memory_space<hbm>>
    %dma_start3A_166 = arith.constant 256 : i32
    %dma_start3A_167 = arith.constant 0 : i32
    %dma_start3A_168 = tpu.memref_slice %arg10[%dma_start3A_166, %dma_start3A_167] : memref<512x128xf32, #tpu.memory_space<vmem>> -> memref<128x128xf32, #tpu.memory_space<vmem>>
    tpu.enqueue_dma source(%dma_start3A_168 : memref<128x128xf32, #tpu.memory_space<vmem>>) target(%dma_start3A_165 : memref<128x128xf32, #tpu.memory_space<hbm>>) target_semaphore(%arg16 : memref<!tpu.dma_semaphore, #tpu.memory_space<semaphore_mem>>)
    %dma_wait3A_169 = arith.constant 384 : i32
    %dma_wait3A_170 = arith.constant 0 : i32
    %dma_wait3A_171 = tpu.memref_slice %arg10[%dma_wait3A_169, %dma_wait3A_170] : memref<512x128xf32, #tpu.memory_space<vmem>> -> memref<128x128xf32, #tpu.memory_space<vmem>>
    %dma_wait3A_172 = arith.constant 384 : i32
    %dma_wait3A_173 = tpu.memref_slice %arg9[%dma_wait3A_172] : memref<512xi32, #tpu.memory_space<vmem>> -> memref<128xi32, #tpu.memory_space<vmem>>
    %dma_wait3A_174 = arith.constant 0 : i32
    %dma_wait3A_175 = arith.constant 0 : i32
    %dma_wait3A_176 = tpu.memref_slice %arg2[%dma_wait3A_174, %dma_wait3A_175] : memref<2688x128xf32, #tpu.memory_space<hbm>> -> memref<2688x128xf32, #tpu.memory_space<hbm>>
    tpu.wait_indirect_dma semaphore(%arg15 : memref<!tpu.dma_semaphore, #tpu.memory_space<semaphore_mem>>) src(%dma_wait3A_176 : memref<2688x128xf32, #tpu.memory_space<hbm>>) dst(%dma_wait3A_171 : memref<128x128xf32, #tpu.memory_space<vmem>>)
    %add3A_177 = arith.constant 384 : i32
    %add3A_178 = arith.addi %mul3A_2, %add3A_177 : i32
    %dma_start3A_179 = arith.constant 384 : i32
    %dma_start3A_180 = arith.constant 0 : i32
    %dma_start3A_181 = tpu.memref_slice %arg10[%dma_start3A_179, %dma_start3A_180] : memref<512x128xf32, #tpu.memory_space<vmem>> -> memref<128x128xf32, #tpu.memory_space<vmem>>
    %dma_start3A_182 = arith.constant 0 : i32
    %dma_start3A_183 = tpu.memref_slice %arg7[%add3A_178, %dma_start3A_182] : memref<16384x128xf32, #tpu.memory_space<hbm>> -> memref<128x128xf32, #tpu.memory_space<hbm>>
    %dma_start3A_184 = arith.constant 0 : i32
    %dma_start3A_185 = tpu.memref_slice %arg7[%add3A_178, %dma_start3A_184] : memref<16384x128xf32, #tpu.memory_space<hbm>> -> memref<128x128xf32, #tpu.memory_space<hbm>>
    %dma_start3A_186 = arith.constant 384 : i32
    %dma_start3A_187 = arith.constant 0 : i32
    %dma_start3A_188 = tpu.memref_slice %arg10[%dma_start3A_186, %dma_start3A_187] : memref<512x128xf32, #tpu.memory_space<vmem>> -> memref<128x128xf32, #tpu.memory_space<vmem>>
    tpu.enqueue_dma source(%dma_start3A_188 : memref<128x128xf32, #tpu.memory_space<vmem>>) target(%dma_start3A_185 : memref<128x128xf32, #tpu.memory_space<hbm>>) target_semaphore(%arg16 : memref<!tpu.dma_semaphore, #tpu.memory_space<semaphore_mem>>)
    %dma_wait3A_189 = arith.constant 0 : i32
    %dma_wait3A_190 = arith.constant 0 : i32
    %dma_wait3A_191 = tpu.memref_slice %arg10[%dma_wait3A_189, %dma_wait3A_190] : memref<512x128xf32, #tpu.memory_space<vmem>> -> memref<128x128xf32, #tpu.memory_space<vmem>>
    %dma_wait3A_192 = arith.constant 0 : i32
    %dma_wait3A_193 = tpu.memref_slice %arg7[%add3A_118, %dma_wait3A_192] : memref<16384x128xf32, #tpu.memory_space<hbm>> -> memref<128x128xf32, #tpu.memory_space<hbm>>
    %dma_wait3A_194 = arith.constant 0 : i32
    %dma_wait3A_195 = tpu.memref_slice %arg7[%add3A_118, %dma_wait3A_194] : memref<16384x128xf32, #tpu.memory_space<hbm>> -> memref<128x128xf32, #tpu.memory_space<hbm>>
    %dma_wait3A_196 = arith.constant 0 : i32
    %dma_wait3A_197 = arith.constant 0 : i32
    %dma_wait3A_198 = tpu.memref_slice %arg10[%dma_wait3A_196, %dma_wait3A_197] : memref<512x128xf32, #tpu.memory_space<vmem>> -> memref<128x128xf32, #tpu.memory_space<vmem>>
    tpu.wait_dma2 semaphore(%arg16 : memref<!tpu.dma_semaphore, #tpu.memory_space<semaphore_mem>>) src(%dma_wait3A_198 : memref<128x128xf32, #tpu.memory_space<vmem>>) dst(%dma_wait3A_195 : memref<128x128xf32, #tpu.memory_space<hbm>>)
    %dma_wait3A_199 = arith.constant 128 : i32
    %dma_wait3A_200 = arith.constant 0 : i32
    %dma_wait3A_201 = tpu.memref_slice %arg10[%dma_wait3A_199, %dma_wait3A_200] : memref<512x128xf32, #tpu.memory_space<vmem>> -> memref<128x128xf32, #tpu.memory_space<vmem>>
    %dma_wait3A_202 = arith.constant 0 : i32
    %dma_wait3A_203 = tpu.memref_slice %arg7[%add3A_138, %dma_wait3A_202] : memref<16384x128xf32, #tpu.memory_space<hbm>> -> memref<128x128xf32, #tpu.memory_space<hbm>>
    %dma_wait3A_204 = arith.constant 0 : i32
    %dma_wait3A_205 = tpu.memref_slice %arg7[%add3A_138, %dma_wait3A_204] : memref<16384x128xf32, #tpu.memory_space<hbm>> -> memref<128x128xf32, #tpu.memory_space<hbm>>
    %dma_wait3A_206 = arith.constant 128 : i32
    %dma_wait3A_207 = arith.constant 0 : i32
    %dma_wait3A_208 = tpu.memref_slice %arg10[%dma_wait3A_206, %dma_wait3A_207] : memref<512x128xf32, #tpu.memory_space<vmem>> -> memref<128x128xf32, #tpu.memory_space<vmem>>
    tpu.wait_dma2 semaphore(%arg16 : memref<!tpu.dma_semaphore, #tpu.memory_space<semaphore_mem>>) src(%dma_wait3A_208 : memref<128x128xf32, #tpu.memory_space<vmem>>) dst(%dma_wait3A_205 : memref<128x128xf32, #tpu.memory_space<hbm>>)
    %dma_wait3A_209 = arith.constant 256 : i32
    %dma_wait3A_210 = arith.constant 0 : i32
    %dma_wait3A_211 = tpu.memref_slice %arg10[%dma_wait3A_209, %dma_wait3A_210] : memref<512x128xf32, #tpu.memory_space<vmem>> -> memref<128x128xf32, #tpu.memory_space<vmem>>
    %dma_wait3A_212 = arith.constant 0 : i32
    %dma_wait3A_213 = tpu.memref_slice %arg7[%add3A_158, %dma_wait3A_212] : memref<16384x128xf32, #tpu.memory_space<hbm>> -> memref<128x128xf32, #tpu.memory_space<hbm>>
    %dma_wait3A_214 = arith.constant 0 : i32
    %dma_wait3A_215 = tpu.memref_slice %arg7[%add3A_158, %dma_wait3A_214] : memref<16384x128xf32, #tpu.memory_space<hbm>> -> memref<128x128xf32, #tpu.memory_space<hbm>>
    %dma_wait3A_216 = arith.constant 256 : i32
    %dma_wait3A_217 = arith.constant 0 : i32
    %dma_wait3A_218 = tpu.memref_slice %arg10[%dma_wait3A_216, %dma_wait3A_217] : memref<512x128xf32, #tpu.memory_space<vmem>> -> memref<128x128xf32, #tpu.memory_space<vmem>>
    tpu.wait_dma2 semaphore(%arg16 : memref<!tpu.dma_semaphore, #tpu.memory_space<semaphore_mem>>) src(%dma_wait3A_218 : memref<128x128xf32, #tpu.memory_space<vmem>>) dst(%dma_wait3A_215 : memref<128x128xf32, #tpu.memory_space<hbm>>)
    %dma_wait3A_219 = arith.constant 384 : i32
    %dma_wait3A_220 = arith.constant 0 : i32
    %dma_wait3A_221 = tpu.memref_slice %arg10[%dma_wait3A_219, %dma_wait3A_220] : memref<512x128xf32, #tpu.memory_space<vmem>> -> memref<128x128xf32, #tpu.memory_space<vmem>>
    %dma_wait3A_222 = arith.constant 0 : i32
    %dma_wait3A_223 = tpu.memref_slice %arg7[%add3A_178, %dma_wait3A_222] : memref<16384x128xf32, #tpu.memory_space<hbm>> -> memref<128x128xf32, #tpu.memory_space<hbm>>
    %dma_wait3A_224 = arith.constant 0 : i32
    %dma_wait3A_225 = tpu.memref_slice %arg7[%add3A_178, %dma_wait3A_224] : memref<16384x128xf32, #tpu.memory_space<hbm>> -> memref<128x128xf32, #tpu.memory_space<hbm>>
    %dma_wait3A_226 = arith.constant 384 : i32
    %dma_wait3A_227 = arith.constant 0 : i32
    %dma_wait3A_228 = tpu.memref_slice %arg10[%dma_wait3A_226, %dma_wait3A_227] : memref<512x128xf32, #tpu.memory_space<vmem>> -> memref<128x128xf32, #tpu.memory_space<vmem>>
    tpu.wait_dma2 semaphore(%arg16 : memref<!tpu.dma_semaphore, #tpu.memory_space<semaphore_mem>>) src(%dma_wait3A_228 : memref<128x128xf32, #tpu.memory_space<vmem>>) dst(%dma_wait3A_225 : memref<128x128xf32, #tpu.memory_space<hbm>>)
    return
  }
}

module attributes {stable_mosaic.version = 14 : i64} {
  func.func @_table_body(%arg0: memref<2688x64xf32, #tpu.memory_space<vmem>>, %arg1: memref<7x16xf32, #tpu.memory_space<vmem>>, %arg2: memref<12x16xf32, #tpu.memory_space<vmem>>, %arg3: memref<2x16xf32, #tpu.memory_space<vmem>>, %arg4: memref<16x16xf32, #tpu.memory_space<vmem>>, %arg5: memref<64x64xf32, #tpu.memory_space<vmem>>, %arg6: memref<1x64xf32, #tpu.memory_space<vmem>>, %arg7: memref<64x64xf32, #tpu.memory_space<vmem>>, %arg8: memref<1x64xf32, #tpu.memory_space<vmem>>, %arg9: memref<2688x128xf32, #tpu.memory_space<vmem>>) attributes {dimension_semantics = [], scalar_prefetch = 0 : i64, scratch_operands = 0 : i64, tpu.core_type = #tpu.core_type<tc>} {
    %get3A = arith.constant 0 : index
    %get3A_0 = arith.constant 0 : index
    %get3A_1 = vector.load %arg1[%get3A, %get3A_0] : memref<7x16xf32, #tpu.memory_space<vmem>>, vector<7x16xf32>
    %get3A_2 = arith.constant 0 : index
    %get3A_3 = arith.constant 0 : index
    %get3A_4 = vector.load %arg5[%get3A_2, %get3A_3] : memref<64x64xf32, #tpu.memory_space<vmem>>, vector<16x64xf32>
    %dot_general3A = arith.constant dense<0.000000e+00> : vector<7x64xf32>
    %dot_general3A_5 = tpu.matmul %get3A_1, %get3A_4, %dot_general3A {dimension_numbers = #tpu.dot_dimension_numbers<[1], [0], [0], [1], [0, 0, 1, 1], [], []>, transpose_lhs_hint = false} : vector<7x16xf32>, vector<16x64xf32>, vector<7x64xf32> -> vector<7x64xf32>
    %get3A_6 = arith.constant 0 : index
    %get3A_7 = arith.constant 0 : index
    %get3A_8 = vector.load %arg2[%get3A_6, %get3A_7] : memref<12x16xf32, #tpu.memory_space<vmem>>, vector<12x16xf32>
    %get3A_9 = arith.constant 16 : index
    %get3A_10 = arith.constant 0 : index
    %get3A_11 = vector.load %arg5[%get3A_9, %get3A_10] : memref<64x64xf32, #tpu.memory_space<vmem>>, vector<16x64xf32>
    %dot_general3A_12 = arith.constant dense<0.000000e+00> : vector<12x64xf32>
    %dot_general3A_13 = tpu.matmul %get3A_8, %get3A_11, %dot_general3A_12 {dimension_numbers = #tpu.dot_dimension_numbers<[1], [0], [0], [1], [0, 0, 1, 1], [], []>, transpose_lhs_hint = false} : vector<12x16xf32>, vector<16x64xf32>, vector<12x64xf32> -> vector<12x64xf32>
    %get3A_14 = arith.constant 0 : index
    %get3A_15 = arith.constant 0 : index
    %get3A_16 = vector.load %arg3[%get3A_14, %get3A_15] : memref<2x16xf32, #tpu.memory_space<vmem>>, vector<2x16xf32>
    %get3A_17 = arith.constant 32 : index
    %get3A_18 = arith.constant 0 : index
    %get3A_19 = vector.load %arg5[%get3A_17, %get3A_18] : memref<64x64xf32, #tpu.memory_space<vmem>>, vector<16x64xf32>
    %dot_general3A_20 = arith.constant dense<0.000000e+00> : vector<2x64xf32>
    %dot_general3A_21 = tpu.matmul %get3A_16, %get3A_19, %dot_general3A_20 {dimension_numbers = #tpu.dot_dimension_numbers<[1], [0], [0], [1], [0, 0, 1, 1], [], []>, transpose_lhs_hint = false} : vector<2x16xf32>, vector<16x64xf32>, vector<2x64xf32> -> vector<2x64xf32>
    %get3A_22 = arith.constant 0 : index
    %get3A_23 = arith.constant 0 : index
    %get3A_24 = vector.load %arg4[%get3A_22, %get3A_23] : memref<16x16xf32, #tpu.memory_space<vmem>>, vector<16x16xf32>
    %get3A_25 = arith.constant 48 : index
    %get3A_26 = arith.constant 0 : index
    %get3A_27 = vector.load %arg5[%get3A_25, %get3A_26] : memref<64x64xf32, #tpu.memory_space<vmem>>, vector<16x64xf32>
    %dot_general3A_28 = arith.constant dense<0.000000e+00> : vector<16x64xf32>
    %dot_general3A_29 = tpu.matmul %get3A_24, %get3A_27, %dot_general3A_28 {dimension_numbers = #tpu.dot_dimension_numbers<[1], [0], [0], [1], [0, 0, 1, 1], [], []>, transpose_lhs_hint = false} : vector<16x16xf32>, vector<16x64xf32>, vector<16x64xf32> -> vector<16x64xf32>
    %broadcast_in_dim3A = arith.constant 0.000000e+00 : f32
    %broadcast_in_dim3A_30 = vector.broadcast %broadcast_in_dim3A : f32 to vector<27x64xf32>
    %concatenate3A = tpu.concatenate %dot_general3A_5, %dot_general3A_13, %dot_general3A_21, %dot_general3A_29, %broadcast_in_dim3A_30 in 0 : vector<7x64xf32>, vector<12x64xf32>, vector<2x64xf32>, vector<16x64xf32>, vector<27x64xf32> -> vector<64x64xf32>
    %get3A_31 = arith.constant 0 : index
    %get3A_32 = arith.constant 0 : index
    %get3A_33 = vector.load %arg0[%get3A_31, %get3A_32] : memref<2688x64xf32, #tpu.memory_space<vmem>>, vector<2688x64xf32>
    %dot_general3A_34 = arith.constant dense<0.000000e+00> : vector<2688x64xf32>
    %dot_general3A_35 = tpu.matmul %get3A_33, %concatenate3A, %dot_general3A_34 {dimension_numbers = #tpu.dot_dimension_numbers<[1], [0], [0], [1], [0, 0, 1, 1], [], []>, transpose_lhs_hint = false} : vector<2688x64xf32>, vector<64x64xf32>, vector<2688x64xf32> -> vector<2688x64xf32>
    %get3A_36 = arith.constant 0 : index
    %get3A_37 = arith.constant 0 : index
    %get3A_38 = vector.load %arg6[%get3A_36, %get3A_37] : memref<1x64xf32, #tpu.memory_space<vmem>>, vector<1x64xf32>
    %add3A = vector.broadcast %get3A_38 : vector<1x64xf32> to vector<2688x64xf32>
    %add3A_39 = arith.addf %dot_general3A_35, %add3A : vector<2688x64xf32>
    %mul3A = arith.constant 5.000000e-01 : f32
    %mul3A_40 = vector.broadcast %mul3A : f32 to vector<2688x64xf32>
    %mul3A_41 = arith.mulf %mul3A_40, %add3A_39 : vector<2688x64xf32>
    %mul3A_42 = arith.constant 0.707106769 : f32
    %mul3A_43 = vector.broadcast %mul3A_42 : f32 to vector<2688x64xf32>
    %mul3A_44 = arith.mulf %add3A_39, %mul3A_43 : vector<2688x64xf32>
    %erf3A = math.erf %mul3A_44 : vector<2688x64xf32>
    %add3A_45 = arith.constant 1.000000e+00 : f32
    %add3A_46 = vector.broadcast %add3A_45 : f32 to vector<2688x64xf32>
    %add3A_47 = arith.addf %add3A_46, %erf3A : vector<2688x64xf32>
    %mul3A_48 = arith.mulf %mul3A_41, %add3A_47 : vector<2688x64xf32>
    %get3A_49 = arith.constant 0 : index
    %get3A_50 = arith.constant 0 : index
    %get3A_51 = vector.load %arg7[%get3A_49, %get3A_50] : memref<64x64xf32, #tpu.memory_space<vmem>>, vector<64x64xf32>
    %dot_general3A_52 = arith.constant dense<0.000000e+00> : vector<2688x64xf32>
    %dot_general3A_53 = tpu.matmul %mul3A_48, %get3A_51, %dot_general3A_52 {dimension_numbers = #tpu.dot_dimension_numbers<[1], [0], [0], [1], [0, 0, 1, 1], [], []>, transpose_lhs_hint = false} : vector<2688x64xf32>, vector<64x64xf32>, vector<2688x64xf32> -> vector<2688x64xf32>
    %get3A_54 = arith.constant 0 : index
    %get3A_55 = arith.constant 0 : index
    %get3A_56 = vector.load %arg8[%get3A_54, %get3A_55] : memref<1x64xf32, #tpu.memory_space<vmem>>, vector<1x64xf32>
    %add3A_57 = vector.broadcast %get3A_56 : vector<1x64xf32> to vector<2688x64xf32>
    %add3A_58 = arith.addf %dot_general3A_53, %add3A_57 : vector<2688x64xf32>
    %swap3A = arith.constant 0 : index
    %swap3A_59 = arith.constant 0 : index
    %swap3A_60 = vector.load %arg9[%swap3A, %swap3A_59] : memref<2688x128xf32, #tpu.memory_space<vmem>>, vector<2688x64xf32>
    tpu.vector_store %arg9[%swap3A, %swap3A_59], %add3A_58 {strides = array<i32>} : memref<2688x128xf32, #tpu.memory_space<vmem>>, vector<2688x64xf32>,
    return
  }
}

</mosaic_0001>

<sc_bundles>
// kernel: kernel.4.cloned.1.call-start
scs
__scs_entry_jumppad:
0x0: {  	(pc) =	sbr.rel $0x88, $3  }
0x1: {  	(tag) =	ssettag $0x0;
	lr =	simm.s32 $0x1  }
0x2: {  	[smem:$0x3F95] =	sst lr;
	_ =	strace $0xD0000000  }
0x3: {  	_ = 	snop  }
0x4: {  	_ = 	snop  }
0x5: {  	_ = 	snop  }
0x6: {  	_ = 	snop  }
0x7: {  	_ = 	snop  }
__scs_overlays_trampoline_lowered:
0x8: {  	[smem:$0x3FA4] =	sst s0  }
0x9: {  	[smem:$0x3FA5] =	sst s1  }
0xa: {  	[smem:$0x3FA6] =	sst s2  }
0xb: {  	[smem:$0x3FA7] =	sst s3  }
0xc: {  	[smem:$0x3FA8] =	sst s4  }
0xd: {  	[smem:$0x3FA9] =	sst s5  }
0xe: {  	[smem:$0x3FAA] =	sst s6  }
0xf: {  	[smem:$0x3FAB] =	sst s7  }
0x10: {  	[smem:$0x3FAC] =	sst s8  }
0x11: {  	[smem:$0x3FAD] =	sst s9;
	s0 =	simm.s32 @!p0 $0x0  }
0x12: {  	s1 =	sld [smem:$0x3F93];
	s0 =	simm.s32 @p0 $0x1  }
0x13: {  	[smem:$0x3FAE] =	sst s0;
	s0 =	simm.s32 @!p1 $0x0  }
0x14: {  	s2 =	sld [smem:$0x3F92];
	s0 =	simm.s32 @p1 $0x1  }
0x15: {  	[smem:$0x3FAF] =	sst s0;
	s0 =	simm.s32 @!p2 $0x0  }
0x16: {  	s3 =	sld [smem:$0x3FDB];
	s0 =	simm.s32 @p2 $0x1  }
0x17: {  	s4 =	simm.s32 $0x1BF5;
	[smem:$0x3FB1] =	sst s0  }
0x18: {  	s0 =	sld [smem:$0x3F94];
	_ =	swait.ge [sflag:s4], $0x0  }
0x19: {  	s7 =	sld [smem:$0x3F95]  }
0x1a: {  	s8 =	sadd.s32 $0xFFFFE003, lr  }
0x1b: {  	s9 =	sadd.s32 $0xFFFFFEF7, lr;
	s5 =	simm.s32 $0xFFFFFFFF;
	p2 =	slt.u32 s8, $0xFFFFF086  }
0x1c: {  	p1 =	slt.u32 s9, $0xF7A;
	s5 =	simm.s32 @!p2 $0x0  }
0x1d: {  	s5 =	simm.s32 @p1 $0x1;
	p0 =	seq.s32 s7, s2  }
0x1e: {  	s7 =	smul.u32 @!p0 $0xF7A, s2;
	p2 =	seq.s32 @!p0 s5, $0x0  }
0x1f: {  	s9 =	smul.u32 $0xF7A, s1;
	s8 =	simm.s32 @!p0 $0x1BF5;
	p2 =	por !p2, p0  }
0x20: {  	[sflag:s8] =	ssyncset.s32 @!p0 $0xFFFFF086;
	s6 =	sadd.s32 @!p0 s3, s7;
	s7 =	simm.s32 @!p0 $0x108  }
0x21: {  	s3 =	sadd.s32 s3, s9;
	s6 =	sadd.s32 @!p0 $0x88, s6;
	s7 =	simm.s32 @p2 $0x1082  }
0x22: {  	[simem:s7], [sflag:s8] =	dma.local @!p0 [hbm:s6], $0xF7A  }
0x23: {  	s9 =	sor.u32 $0xD0000000, s2;
	s6 =	simm.s32 $0x108;
	_ =	swait.ge @!p0 [sflag:s8], $0x0  }
0x24: {  	s3 =	sadd.s32 $0x88, s3;
	s6 =	simm.s32 @!p1 $0x1082;
	[sflag:s4] =	ssyncset.s32 $0xFFFFF086  }
0x25: {  	[simem:s6], [sflag:s4] =	dma.local [hbm:s3], $0xF7A  }
0x26: {  	[smem:$0x3F95] =	sst s1;
	(tag) =	ssettag s2;
	_ =	strace s9  }
0x27: {  	s1 =	sld [smem:$0x3FA5]  }
0x28: {  	s2 =	sld [smem:$0x3FA6]  }
0x29: {  	s4 =	sld [smem:$0x3FA8]  }
0x2a: {  	p0 =	seq.s32 s5, $0x0;
	s5 =	sld [smem:$0x3FA9]  }
0x2b: {  	s6 =	sld [smem:$0x3FAA]  }
0x2c: {  	s7 =	sld [smem:$0x3FAB]  }
0x2d: {  	s3 =	simm.s32 $0x108;
	s8 =	sld [smem:$0x3FAC]  }
0x2e: {  	s3 =	simm.s32 @!p0 $0x1082;
	s9 =	sld [smem:$0x3FAD]  }
0x2f: {  	lr =	sadd.s32 s0, s3;
	s0 =	sld [smem:$0x3FA4]  }
0x30: {  	s3 =	sld [smem:$0x3FA7]  }
0x31: {  	[smem:$0x3FB0] =	sst s10  }
0x32: {  	s10 =	sld [smem:$0x3FAE];
	_ =	sdelay $0x3  }
0x33: {  	p0 =	seq.s32 s10, $0x1;
	s10 =	sld [smem:$0x3FB0];
	_ =	sdelay $0x3  }
0x34: {  	[smem:$0x3FB0] =	sst s10  }
0x35: {  	s10 =	sld [smem:$0x3FAF];
	_ =	sdelay $0x3  }
0x36: {  	p1 =	seq.s32 s10, $0x1;
	s10 =	sld [smem:$0x3FB0];
	_ =	sdelay $0x3  }
0x37: {  	[smem:$0x3FB0] =	sst s10  }
0x38: {  	s10 =	sld [smem:$0x3FB1]  }
0x39: {  	_ = 	snop;
	(pc) =	sbr.ind lr, $3  }
0x3a: {  	_ = 	snop  }
0x3b: {  	_ = 	snop  }
0x3c: {  	p2 =	seq.s32 s10, $0x1;
	s10 =	sld [smem:$0x3FB0]  }
0x3d: {  	_ =	shalt  }
0x3e: {  	_ =	shalt  }
0x3f: {  	_ =	shalt  }
0x40: {  	_ =	shalt  }
0x41: {  	_ =	shalt  }
0x42: {  	_ =	shalt  }
0x43: {  	_ =	shalt  }
0x44: {  	_ =	shalt  }
0x45: {  	_ =	shalt  }
0x46: {  	_ =	shalt  }
0x47: {  	_ =	shalt  }
0x48: {  	_ =	shalt  }
0x49: {  	_ =	shalt  }
0x4a: {  	_ =	shalt  }
0x4b: {  	_ =	shalt  }
0x4c: {  	_ =	shalt  }
0x4d: {  	_ =	shalt  }
0x4e: {  	_ =	shalt  }
0x4f: {  	_ =	shalt  }
0x50: {  	_ =	shalt  }
0x51: {  	_ =	shalt  }
0x52: {  	_ =	shalt  }
0x53: {  	_ =	shalt  }
0x54: {  	_ =	shalt  }
0x55: {  	_ =	shalt  }
0x56: {  	_ =	shalt  }
0x57: {  	_ =	shalt  }
0x58: {  	_ =	shalt  }
0x59: {  	_ =	shalt  }
0x5a: {  	_ =	shalt  }
0x5b: {  	_ =	shalt  }
0x5c: {  	_ =	shalt  }
0x5d: {  	_ =	shalt  }
0x5e: {  	_ =	shalt  }
0x5f: {  	_ =	shalt  }
0x60: {  	_ =	shalt  }
0x61: {  	_ =	shalt  }
0x62: {  	_ =	shalt  }
0x63: {  	_ =	shalt  }
0x64: {  	_ =	shalt  }
0x65: {  	_ =	shalt  }
0x66: {  	_ =	shalt  }
0x67: {  	_ =	shalt  }
0x68: {  	_ =	shalt  }
0x69: {  	_ =	shalt  }
0x6a: {  	_ =	shalt  }
0x6b: {  	_ =	shalt  }
0x6c: {  	_ =	shalt  }
0x6d: {  	_ =	shalt  }
0x6e: {  	_ =	shalt  }
0x6f: {  	_ =	shalt  }
0x70: {  	_ =	shalt  }
0x71: {  	_ =	shalt  }
0x72: {  	_ =	shalt  }
0x73: {  	_ =	shalt  }
0x74: {  	_ =	shalt  }
0x75: {  	_ =	shalt  }
0x76: {  	_ =	shalt  }
0x77: {  	_ =	shalt  }
0x78: {  	_ =	shalt  }
0x79: {  	_ =	shalt  }
0x7a: {  	_ =	shalt  }
0x7b: {  	_ =	shalt  }
0x7c: {  	_ =	shalt  }
0x7d: {  	_ =	shalt  }
0x7e: {  	_ =	shalt  }
0x7f: {  	_ =	shalt  }
0x80: {  	_ =	shalt  }
0x81: {  	_ =	shalt  }
0x82: {  	_ =	shalt  }
0x83: {  	_ =	shalt  }
0x84: {  	_ =	shalt  }
0x85: {  	_ =	shalt  }
0x86: {  	_ =	shalt  }
0x87: {  	_ =	shalt  }
.Lfunc_end0:
.L_simem_size_0:
called_computation_lowered:
.L_overlay_start_0:
0x88: {  	s2 =	sld [smem:$0x3FD9]  }
0x89: {  	s3 =	sld [smem:$0x3FFE];
	_ =	sdelay $0x1  }
0x8a: {  	s1 =	srdreg.scid  }
0x8b: {  	s0 =	sand.u32 $0x1, s1  }
0x8c: {  	s17 =	sshll.u32 s0, $0xA;
	s2 =	sadd.s32 s3, s2  }
0x8d: {  	s2 =	sadd.s32 s2, s17  }
0x8e: {  	[smem:$0x3FBC] =	sst s2  }
0x8f: {  	_ = 	snop  }
0x90: {  	s2 =	sld [smem:$0x3FC9]  }
0x91: {  	s18 =	sld [smem:$0x3FC8]  }
0x92: {  	s4 =	sld [smem:$0x3FC7]  }
0x93: {  	s5 =	sld [smem:$0x3FC6]  }
0x94: {  	s6 =	sld [smem:$0x3FD0];
	(tm) =	ssettm $0x1  }
0x95: {  	s7 =	sld [smem:$0x3FFB];
	_ =	sdelay $0x3  }
0x96: {  	_ =	strace s7  }
0x97: {  	s7 =	sld [smem:$0x3FFC];
	_ =	sdelay $0x3  }
0x98: {  	_ =	strace s7  }
0x99: {  	s7 =	sld [smem:$0x3FFD];
	_ =	sdelay $0x3  }
0x9a: {  	_ =	strace s7  }
0x9b: {  	_ =	strace $0x8FFFFFFF  }
0x9c: {  	s19 =	sld [smem:$0x3FDB];
	_ =	sdelay $0x1  }
0x9d: {  	s8 =	simm.s32 $_scs_section_size  }
0x9e: {  	s9 =	simm.s32 $_size__tile_overlayer_lowered;
	s10 =	simm.s32 $_tile_overlayer_lowered  }
0x9f: {  	s22 =	simm.s32 $0x1BFF;
	s21 =	sshll.u32 s10, $0x1;
	s7 =	sadd.s32 s8, s19  }
0xa0: {  	s11 =	simm.s32 $0x0;
	s20 =	sshll.u32 s9, $0x1;
	s9 =	sadd.s32 s21, s7  }
0xa1: {  	[timem:s11], [sflag:s22] =	dma.local [hbm:s9], s20  }
0xa2: {  	_ =	swait.ge [sflag:s22], s20  }
0xa3: {  	s8 =	ssub.s32 $0x0, s20;
	[sflag:s22] =	ssyncset.done $0x0  }
0xa4: {  	[sflag:s22] =	ssyncadd.s32 s8;
	_ =	sdelay $0x1  }
0xa5: {  	s23 =	simm.s32 $0x1B8B  }
0xa6: {  	_ =	swait.ge [sflag:s23], $0x1  }
0xa7: {  	[sflag:s23] =	ssyncset.done $0x0  }
0xa8: {  	s25 =	simm.s32 $0x1B8E;
	s24 =	sld [smem:$0x3FFE];
	[sflag:s23] =	ssyncadd.s32 $0xFFFFFFFF  }
0xa9: {  	s26 =	simm.s32 $execute0_lowered;
	[smem:$0x3FD2] =	sst s25  }
0xaa: {  	s9 =	sshll.u32 s26, $0x1;
	_ =	strace $0x80000046;
	[dreg:$0x1] =	wrdreg $0xFFFFFFFF  }
0xab: {  	s28 =	simm.s32 $_size_execute0_lowered;
	s7 =	sadd.s32 s7, s9;
	[dreg:$0x0] =	wrdreg $0x0  }
0xac: {  	s9 =	sshll.u32 s28, $0x1;
	[dreg:$0x2] =	wrdreg s7  }
0xad: {  	[dreg:$0x3] =	wrdreg s9  }
0xae: {  	[dreg:$0x4] =	wrdreg $0xC0  }
0xaf: {  	_ =	task [dreg:s11], $0x5FFFF  }
0xb0: {  	[dreg:$0x1] =	wrdreg $0xFFFFFFFF  }
0xb1: {  	[dreg:$0x0] =	wrdreg $0x60  }
0xb2: {  	[dreg:$0x2] =	wrdreg s6  }
0xb3: {  	[dreg:$0x3] =	wrdreg s2  }
0xb4: {  	[dreg:$0x4] =	wrdreg s18  }
0xb5: {  	[dreg:$0x5] =	wrdreg s4  }
0xb6: {  	[dreg:$0x6] =	wrdreg s5  }
0xb7: {  	[dreg:$0x7] =	wrdreg s24  }
0xb8: {  	[dreg:$0x8] =	wrdreg $0x9  }
0xb9: {  	_ =	task.clear_ibuf [dreg:s11], $0x9FFFF;
	_ =	strace $0x90000046  }
0xba: {  	s29 =	simm.s32 $0x9;
	_ =	strace $0x80000048  }
0xbb: {  	_ =	swait.ge [sflag:s29], $0x1  }
0xbc: {  	[sflag:s29] =	ssyncadd.s32 $0xFFFFFFFF  }
0xbd: {  	_ =	strace $0x90000048  }
0xbe: {  	_ =	sfence  }
0xbf: {  	s30 =	sld [smem:$0x0];
	_ =	sdelay $0x2  }
0xc0: {  	s31 =	sshll.u32 s1, $0xD;
	s1 =	sshrl.u32 s1, $0x2  }
0xc1: {  	s3 =	sand.u32 $0x4000, s31;
	s1 =	sadd.s32 s1, s30  }
0xc2: {  	s0 =	sor.u32 s3, s0;
	s1 =	sshll.u32 s1, $0x11  }
0xc3: {  	s0 =	sor.u32 s1, s0  }
0xc4: {  	s0 =	sadd.s32 $0x8F2B, s0  }
0xc5: {  	[sflag:s0] =	ssyncadd.remote.s32 $0x1  }
0xc6: {  	_ =	sfence.sel $0xFFFF  }
0xc7: {  	[dreg:$0x0] =	wrdreg $0xFFFFFFFF;
	(pc) =	sbr.abs _section_cstart, $3  }
0xc8: {  	[dreg:$0x1] =	wrdreg $0xFFFFFFFF  }
0xc9: {  	_ =	task.clear_ibuf [dreg:s11], $0x2FFFF;
	_ =	strace $0x9FFFFFFF  }
0xca: {  	(tm) =	ssettm $0x7FFFFFFF  }
0xcb: {  	_ =	shalt  }
tec
execute0_lowered:
.L_overlay_start_1:
0x0: {  	(tag) =	ssettag $0x1  }
0x1: {  	s0 =	rddreg [dreg:$0x0]  }
0x2: {  	s1 =	rddreg [dreg:$0x1]  }
0x3: {  	s2 =	rddreg [dreg:$0x2]  }
0x4: {  	s6 =	rddreg [dreg:$0x3]  }
0x5: {  	s7 =	rddreg [dreg:$0x4]  }
0x6: {  	s4 =	rddreg [dreg:$0x5]  }
0x7: {  	s3 =	srdreg.scid;
	s8 =	stileid.u32;
	s29 =	simm.s32 $0x80  }
0x8: {  	s28 =	simm.s32 $0xA00;
	s31 =	simm.s32 $0x4A00;
	s30 =	simm.s32 $0xCA00  }
0x9: {  	s11 =	simm.s32 $0x0;
	s5 =	sand.u32 $0x1, s3;
	s3 =	simm.s32 $0x0  }
0xa: {  	s8 =	sshll.u32 s8, $0xA;
	s9 =	sshll.u32 s5, $0x9;
	[smem:$0x7FF] =	sst s3  }
0xb: {  	s5 =	ssub.s32 $0x2, s5;
	s8 =	sor.u32 s9, s8;
	_ =	strace $0x80000047  }
0xc: {  	s10 =	sshrl.u32 s5, $0x1;
	s9 =	sshll.u32 s8, $0x4;
	s8 =	sshrl.u32 s8, $0x3  }
0xd: {  	s10 =	ssub.s32 s5, s10;
	s9 =	sadd.s32 s9, s4;
	s4 =	sadd.s32 s1, s8  }
0xe: {  	s5 =	sadd.s32 s2, s8;
	s6 =	sadd.s32 s6, s8;
	s22 =	smax.u32 s10, $0x1  }
0xf: {  	s7 =	sadd.s32 s7, s8;
	s18 =	sadd.s32 $0x1800, s9;
	[dreg:$0xb] =	wrdreg s22  }
0x10: {  	s2 =	simm.s32 $0x8A00;
	s19 =	sadd.s32 $0x2000, s9;
	[dreg:$0x7] =	wrdreg s18  }
0x11: {  	s1 =	simm.s32 $0x2;
	s20 =	sadd.s32 $0x2800, s9;
	[dreg:$0x8] =	wrdreg s19  }
0x12: {  	s8 =	simm.s32 $0x4;
	s21 =	sadd.s32 $0x3000, s9;
	[dreg:$0x9] =	wrdreg s20  }
0x13: {  	s10 =	simm.s32 $0x6;
	s23 =	sadd.s32 $0x10, s4;
	[dreg:$0xa] =	wrdreg s21  }
0x14: {  	s24 =	sadd.s32 $0x20, s4;
	s25 =	sadd.s32 $0x30, s4;
	[dreg:$0xc] =	wrdreg s23  }
0x15: {  	s26 =	sadd.s32 $0x10, s5;
	s17 =	sadd.s32 $0x20, s5;
	[dreg:$0xd] =	wrdreg s24  }
0x16: {  	s22 =	sadd.s32 $0x10, s7;
	s9 =	simm.s32 $0x5;
	[dreg:$0xe] =	wrdreg s25  }
0x17: {  	[dreg:$0xf] =	wrdreg s26;
	s18 =	sadd.s32 $0x30, s5;
	s19 =	sadd.s32 $0x10, s6  }
0x18: {  	s20 =	sadd.s32 $0x20, s6;
	s21 =	sadd.s32 $0x30, s6;
	s23 =	sadd.s32 $0x20, s7  }
0x19: {  	s24 =	sadd.s32 $0x30, s7;
	s25 =	simm.s32 $0x1;
	s26 =	simm.s32 $0x3  }
.LBB2_1:
0x1a: {  	[tilespmem:s3], [sflag:$0x1] =	stream.linear.gather [hbm4b:s4+s3], $0x80, $0x38;
	[tilespmem:$0x10A00] =	vst v63  }
0x1b: {  	s12 =	rddreg [dreg:$0xc];
	s13 =	simm.s32 $0x200  }
0x1c: {  	[tilespmem:s13], [sflag:$0x1] =	stream.linear.gather [hbm4b:s12+s3], $0x80, $0x38;
	[tilespmem:$0x10A00] =	vst v63  }
0x1d: {  	s14 =	simm.s32 $0x400;
	s13 =	rddreg [dreg:$0xd]  }
0x1e: {  	[tilespmem:s14], [sflag:$0x1] =	stream.linear.gather [hbm4b:s13+s3], $0x80, $0x38;
	[tilespmem:$0x10A00] =	vst v63  }
0x1f: {  	s15 =	rddreg [dreg:$0xe];
	s16 =	simm.s32 $0x600  }
0x20: {  	[tilespmem:s16], [sflag:$0x1] =	stream.linear.gather [hbm4b:s15+s3], $0x80, $0x38;
	[tilespmem:$0x10A00] =	vst v63  }
0x21: {  	_ = 	snop  }
0x22: {  	[tilespmem:s29], [sflag:$0x1] =	stream.linear.gather [hbm4b:s5+s3], $0x80, $0x38;
	[tilespmem:$0x10A00] =	vst v63  }
0x23: {  	s14 =	rddreg [dreg:$0xf];
	s15 =	simm.s32 $0x280  }
0x24: {  	[tilespmem:s15], [sflag:$0x1] =	stream.linear.gather [hbm4b:s14+s3], $0x80, $0x38;
	[tilespmem:$0x10A00] =	vst v63  }
0x25: {  	s16 =	simm.s32 $0x480  }
0x26: {  	[tilespmem:s16], [sflag:$0x1] =	stream.linear.gather [hbm4b:s17+s3], $0x80, $0x38;
	[tilespmem:$0x10A00] =	vst v63  }
0x27: {  	s13 =	simm.s32 $0x680  }
0x28: {  	[tilespmem:s13], [sflag:$0x1] =	stream.linear.gather [hbm4b:s18+s3], $0x80, $0x38;
	[tilespmem:$0x10A00] =	vst v63  }
0x29: {  	s14 =	simm.s32 $0x100  }
0x2a: {  	[tilespmem:s14], [sflag:$0x1] =	stream.linear.gather [hbm4b:s6+s3], $0x80, $0x38;
	[tilespmem:$0x10A00] =	vst v63  }
0x2b: {  	s15 =	simm.s32 $0x300  }
0x2c: {  	[tilespmem:s15], [sflag:$0x1] =	stream.linear.gather [hbm4b:s19+s3], $0x80, $0x38;
	[tilespmem:$0x10A00] =	vst v63  }
0x2d: {  	s16 =	simm.s32 $0x500  }
0x2e: {  	[tilespmem:s16], [sflag:$0x1] =	stream.linear.gather [hbm4b:s20+s3], $0x80, $0x38;
	[tilespmem:$0x10A00] =	vst v63  }
0x2f: {  	s13 =	simm.s32 $0x700  }
0x30: {  	[tilespmem:s13], [sflag:$0x1] =	stream.linear.gather [hbm4b:s21+s3], $0x80, $0x38;
	[tilespmem:$0x10A00] =	vst v63  }
0x31: {  	s14 =	simm.s32 $0x180  }
0x32: {  	[tilespmem:s14], [sflag:$0x1] =	stream.linear.gather [hbm4b:s7+s3], $0x80, $0x38;
	[tilespmem:$0x10A00] =	vst v63  }
0x33: {  	s15 =	simm.s32 $0x380  }
0x34: {  	[tilespmem:s15], [sflag:$0x1] =	stream.linear.gather [hbm4b:s22+s3], $0x80, $0x38;
	[tilespmem:$0x10A00] =	vst v63  }
0x35: {  	s16 =	simm.s32 $0x580  }
0x36: {  	[tilespmem:s16], [sflag:$0x1] =	stream.linear.gather [hbm4b:s23+s3], $0x80, $0x38;
	[tilespmem:$0x10A00] =	vst v63  }
0x37: {  	s13 =	simm.s32 $0x780  }
0x38: {  	[tilespmem:s13], [sflag:$0x1] =	stream.linear.gather [hbm4b:s24+s3], $0x80, $0x38;
	[tilespmem:$0x10A00] =	vst v63  }
0x39: {  	_ =	swait.ge [sflag:s25], $0x200  }
0x3a: {  	[sflag:s25] =	ssyncset.done $0x0  }
0x3b: {  	[sflag:s25] =	ssyncadd.s32 $0xFFFFFE00  }
0x3c: {  	_ =	swait.ge [sflag:s25], $0x200  }
0x3d: {  	[sflag:s25] =	ssyncset.done $0x0  }
0x3e: {  	[sflag:s25] =	ssyncadd.s32 $0xFFFFFE00  }
0x3f: {  	_ =	swait.ge [sflag:s25], $0x200  }
0x40: {  	[sflag:s25] =	ssyncset.done $0x0  }
0x41: {  	[sflag:s25] =	ssyncadd.s32 $0xFFFFFE00  }
0x42: {  	_ =	swait.ge [sflag:s25], $0x200  }
0x43: {  	s14 =	sand.u32 $0x70, s3;
	s15 =	sand.u32 $0x600, s3;
	[sflag:s25] =	ssyncset.done $0x0  }
0x44: {  	s12 =	sor.u32 s14, s15;
	[sflag:s25] =	ssyncadd.s32 $0xFFFFFE00  }
0x45: {  	v0 =	vld [tilespmem:s12+$0x0];
	_ =	sdelay $0x1  }
0x46: {  	v1 =	vld [tilespmem:s12+$0x80]  }
0x47: {  	v2 =	vld [tilespmem:s12+$0x100];
	_ =	sdelay $0x1  }
0x48: {  	v3 =	vld [tilespmem:s12+$0x180];
	v0 =	vmul.u32 $0xC, v0;
	_ =	sdelay $0x1  }
0x49: {  	v0 =	vadd.s32 v1, v0  }
0x4a: {  	s16 =	simm.s32 $0x10;
	v1 =	vshll.u32 v2, $0x4;
	v0 =	vshll.u32 v0, $0x5  }
0x4b: {  	s14 =	sand.u32 $0x70, s16;
	s12 =	simm.s32 $0x40;
	v0 =	vadd.s32 v1, v0  }
0x4c: {  	s16 =	simm.s32 $0x0;
	s13 =	simm.s32 $0x20;
	s15 =	sand.u32 $0x600, s12;
	v0 =	vadd.s32 v3, v0  }
.LBB2_2:
0x4d: {  	p0 =	sne.s32 s13, $0x1F0;
	s14 =	sor.u32 s14, s15;
	[tilespmem:s16+$0x800] =	vst v0;
	s16 =	smov.u32 s12  }
0x4e: {  	v0 =	vld [tilespmem:s14+$0x0];
	_ =	sdelay $0x1  }
0x4f: {  	v1 =	vld [tilespmem:s14+$0x80]  }
0x50: {  	v2 =	vld [tilespmem:s14+$0x100];
	_ =	sdelay $0x1  }
0x51: {  	v0 =	vmul.u32 $0xC, v0;
	v3 =	vld [tilespmem:s14+$0x180]  }
.Ltmp0:
0x52: {  	(pc) =	sbr.rel @p0 .LBB2_2-.Ltmp0, $4  }
0x53: {  	v0 =	vadd.s32 v1, v0  }
0x54: {  	v0 =	vshll.u32 v0, $0x5;
	v1 =	vshll.u32 v2, $0x4  }
0x55: {  	s12 =	sadd.s32 $0x40, s12;
	s14 =	sand.u32 $0x70, s13;
	v0 =	vadd.s32 v1, v0  }
0x56: {  	s15 =	sand.u32 $0x600, s12;
	s16 =	sshra.s32 s16, $0x2;
	s13 =	sadd.s32 $0x10, s13;
	v0 =	vadd.s32 v3, v0  }
0x57: {  	s13 =	sor.u32 s14, s15;
	[tilespmem:s16+$0x800] =	vst v0  }
0x58: {  	v0 =	vld [tilespmem:s13+$0x0];
	_ =	sdelay $0x1  }
0x59: {  	v1 =	vld [tilespmem:s13+$0x80]  }
0x5a: {  	v2 =	vld [tilespmem:s13+$0x100];
	_ =	sdelay $0x1  }
0x5b: {  	v3 =	vld [tilespmem:s13+$0x180];
	v0 =	vmul.u32 $0xC, v0;
	_ =	sdelay $0x1  }
0x5c: {  	v0 =	vadd.s32 v1, v0  }
0x5d: {  	v63 =	vshll.u32 v2, $0x4;
	v0 =	vshll.u32 v0, $0x5  }
0x5e: {  	v0 =	vadd.s32 v63, v0  }
0x5f: {  	s12 =	sshra.s32 s12, $0x2;
	v0 =	vadd.s32 v3, v0  }
0x60: {  	s16 =	simm.s32 $0x800;
	[tilespmem:s12+$0x800] =	vst v0  }
0x61: {  	[tilespmem:s28], [sflag:$0x2] =	stream.indirect.gather [hbm4b:s0+s29], $0x80, s16, s29, $0xb8;
	[tilespmem:$0x10A00] =	vst v63  }
0x62: {  	s13 =	simm.s32 $0x880  }
0x63: {  	[tilespmem:s31], [sflag:$0x3] =	stream.indirect.gather [hbm4b:s0+s29], $0x80, s13, s29, $0xb8;
	[tilespmem:$0x10A00] =	vst v63  }
0x64: {  	s14 =	simm.s32 $0x900  }
0x65: {  	[tilespmem:s2], [sflag:$0x4] =	stream.indirect.gather [hbm4b:s0+s29], $0x80, s14, s29, $0xb8;
	[tilespmem:$0x10A00] =	vst v63  }
0x66: {  	s15 =	simm.s32 $0x980  }
0x67: {  	[tilespmem:s30], [sflag:$0x5] =	stream.indirect.gather [hbm4b:s0+s29], $0x80, s15, s29, $0xb8;
	[tilespmem:$0x10A00] =	vst v63  }
0x68: {  	_ =	swait.ge [sflag:s1], $0x4000  }
0x69: {  	[sflag:s1] =	ssyncset.done $0x0  }
0x6a: {  	s16 =	rddreg [dreg:$0x7];
	[sflag:s1] =	ssyncadd.s32 $0xFFFFC000  }
0x6b: {  	[hbm4b:s16+s3] =	stream.linear.scatter [tilespmem:s28], [sflag:$0x6], $0x4000, $0x38;
	[tilespmem:$0x10A00] =	vst v63  }
0x6c: {  	_ =	swait.ge [sflag:s26], $0x4000  }
0x6d: {  	[sflag:s26] =	ssyncset.done $0x0  }
0x6e: {  	s13 =	rddreg [dreg:$0x8];
	[sflag:s26] =	ssyncadd.s32 $0xFFFFC000  }
0x6f: {  	[hbm4b:s13+s3] =	stream.linear.scatter [tilespmem:s31], [sflag:$0x6], $0x4000, $0x38;
	[tilespmem:$0x10A00] =	vst v63  }
0x70: {  	_ =	swait.ge [sflag:s8], $0x4000  }
0x71: {  	[sflag:s8] =	ssyncset.done $0x0  }
0x72: {  	s14 =	rddreg [dreg:$0x9];
	[sflag:s8] =	ssyncadd.s32 $0xFFFFC000  }
0x73: {  	[hbm4b:s14+s3] =	stream.linear.scatter [tilespmem:s2], [sflag:$0x6], $0x4000, $0x38;
	[tilespmem:$0x10A00] =	vst v63  }
0x74: {  	_ =	swait.ge [sflag:s9], $0x4000  }
0x75: {  	[sflag:s9] =	ssyncset.done $0x0  }
0x76: {  	s15 =	rddreg [dreg:$0xa];
	[sflag:s9] =	ssyncadd.s32 $0xFFFFC000  }
0x77: {  	[hbm4b:s15+s3] =	stream.linear.scatter [tilespmem:s30], [sflag:$0x6], $0x4000, $0x38;
	[tilespmem:$0x10A00] =	vst v63  }
0x78: {  	_ =	swait.ge [sflag:s10], $0x4000  }
0x79: {  	[sflag:s10] =	ssyncset.done $0x0  }
0x7a: {  	[sflag:s10] =	ssyncadd.s32 $0xFFFFC000  }
0x7b: {  	_ =	swait.ge [sflag:s10], $0x4000  }
0x7c: {  	[sflag:s10] =	ssyncset.done $0x0  }
0x7d: {  	[sflag:s10] =	ssyncadd.s32 $0xFFFFC000  }
0x7e: {  	_ =	swait.ge [sflag:s10], $0x4000  }
0x7f: {  	[sflag:s10] =	ssyncset.done $0x0  }
0x80: {  	[sflag:s10] =	ssyncadd.s32 $0xFFFFC000  }
0x81: {  	_ =	swait.ge [sflag:s10], $0x4000  }
0x82: {  	s11 =	sadd.s32 $0x1, s11;
	s16 =	rddreg [dreg:$0xb]  }
0x83: {  	p0 =	sne.s32 s11, s16  }
.Ltmp1:
0x84: {  	_ = 	snop;
	(pc) =	sbr.rel @p0 .LBB2_1-.Ltmp1, $3  }
0x85: {  	_ =	sdelay $0x1  }
0x86: {  	[sflag:s10] =	ssyncset.done $0x0  }
0x87: {  	[sflag:s10] =	ssyncadd.s32 $0xFFFFC000  }
0x88: {  	_ =	sfence.sel $0x180000  }
0x89: {  	[bflag:$0x0] =	sbarrier.arrive $0xFFFF  }
0x8a: {  	_ =	strace $0x90000047  }
0x8b: {  	s0 =	stileid.u32;
	[bflag:$0x2] =	sbarrier.arrive $0xFFFF  }
0x8c: {  	p0 =	sne.s32 s0, $0x0;
	s0 =	rddreg [dreg:$0x6]  }
0x8d: {  	s0 =	sadd.s32 @!p0 $0x100000, s0  }
0x8e: {  	[sflag:s0] =	ssyncadd.tile.s32 @!p0 $0x1;
	_ =	shalt  }
.Lfunc_end2:
_tile_overlayer_lowered:
.L_overlay_start_2:
0x8f: {  	(tag) =	ssettag $0x2  }
0x90: {  	s0 =	rddreg [dreg:$0x0];
	s2 =	stileid.u32  }
0x91: {  	s1 =	rddreg [dreg:$0x1];
	p0 =	sne.s32 s2, $0x0  }
0x92: {  	s3 =	rddreg [dreg:$0x2];
	[bflag:$0x3] =	sbarrier.arrive $0xFFFF;
	s2 =	simm.s32 @!p0 $0x1C07  }
0x93: {  	[timem:s3], [sflag:s2] =	dma.local @!p0 [hbm:s0], s1  }
0x94: {  	s0 =	simm.s32 @!p0 $0x7  }
0x95: {  	_ =	swait.ge @!p0 [sflag:s0], s1  }
0x96: {  	s1 =	ssub.s32 @!p0 $0x0, s1;
	[sflag:s0] =	ssyncset.done @!p0 $0x0  }
0x97: {  	[sflag:s0] =	ssyncadd.s32 @!p0 s1  }
0x98: {  	[bflag:$0x3] =	sbarrier.arrive $0xFFFF  }
0x99: {  	_ =	shalt  }

</sc_bundles>
